<compile_context>
chip_gen: v7x
topology: tpu7x:2x2x1
jax: 0.10.2.dev20260603
libtpu: 0.0.44.dev20260713+nightly
codegen_flags: <defaults>
</compile_context>

<pallas_src>
import functools

import jax
import jax.numpy as jnp
from jax import lax
from jax.experimental import pallas as pl
from jax.experimental.pallas import tpu as pltpu
from jax.experimental.pallas import tpu_sc as plsc

_K = 8192
_D = 32
_BETA = 0.25
_BM = 256
_KC = 2048
_NW = 32


def _argmin_body(nb, nj, m, zb_ref, cb_ref, rowsq_ref, cbn_ref, idx_ref,
                 loss_ref, rmin_ref, rarg_ref, ssq_ref):
    i = pl.program_id(0)
    j = pl.program_id(1)
    zb = zb_ref[...]
    cbj = cb_ref[...]
    xc = lax.dot_general(
        cbj.astype(jnp.bfloat16), zb.astype(jnp.bfloat16),
        (((1,), (1,)), ((), ())),
        preferred_element_type=jnp.float32)
    scores = (rowsq_ref[...] - 2.0 * xc) + cbn_ref[...]
    cmin = jnp.min(scores, axis=0)
    eq = scores == cmin[None, :]
    rowid = lax.broadcasted_iota(jnp.int32, scores.shape, 0)
    carg = jnp.min(jnp.where(eq, rowid, _K), axis=0) + j * _KC

    @pl.when(j == 0)
    def _():
        rmin_ref[...] = jnp.full(rmin_ref.shape, jnp.inf, jnp.float32)
        rarg_ref[...] = jnp.zeros(rarg_ref.shape, jnp.int32)

    take = cmin[None, :] < rmin_ref[...]
    rarg_ref[...] = jnp.where(take, carg[None, :], rarg_ref[...])
    rmin_ref[...] = jnp.where(take, cmin[None, :], rmin_ref[...])

    @pl.when(j == nj - 1)
    def _():
        idx_ref[...] = rarg_ref[...].reshape(idx_ref.shape)

        @pl.when(i == 0)
        def _():
            ssq_ref[0] = 0.0

        ssq_ref[0] += jnp.sum(rmin_ref[...])

        @pl.when(i == nb - 1)
        def _():
            loss_ref[...] = (_BETA * ssq_ref[0] / (m * _D)).reshape(1, 1)


def _tc_argmin(flat, codebook):
    m = flat.shape[0]
    nb = m // _BM
    nj = _K // _KC
    rowsq = jnp.sum(flat * flat, axis=1, keepdims=True).reshape(1, m)
    cbn = jnp.sum(codebook * codebook, axis=1, keepdims=True)
    idx3, loss = pl.pallas_call(
        functools.partial(_argmin_body, nb, nj, m),
        grid=(nb, nj),
        in_specs=[
            pl.BlockSpec((_BM, _D), lambda i, j: (i, 0)),
            pl.BlockSpec((_KC, _D), lambda i, j: (j, 0)),
            pl.BlockSpec((1, _BM), lambda i, j: (0, i)),
            pl.BlockSpec((_KC, 1), lambda i, j: (j, 0)),
        ],
        out_specs=[
            pl.BlockSpec((1, 1, _BM), lambda i, j: (i, 0, 0)),
            pl.BlockSpec((1, 1), lambda i, j: (0, 0)),
        ],
        out_shape=[
            jax.ShapeDtypeStruct((nb, 1, _BM), jnp.int32),
            jax.ShapeDtypeStruct((1, 1), jnp.float32),
        ],
        scratch_shapes=[
            pltpu.VMEM((1, _BM), jnp.float32),
            pltpu.VMEM((1, _BM), jnp.int32),
            pltpu.SMEM((1,), jnp.float32),
        ],
        compiler_params=pltpu.CompilerParams(
            dimension_semantics=("arbitrary", "arbitrary")),
    )(flat, codebook, rowsq, cbn)
    return idx3.reshape(m), loss


def _sc_gather_counts(codebook, idx_flat):
    m = idx_flat.shape[0]
    rows_per = m // _NW
    mesh = plsc.VectorSubcoreMesh(core_axis_name="c", subcore_axis_name="s")

    @functools.partial(
        pl.kernel, mesh=mesh,
        out_type=[
            jax.ShapeDtypeStruct((m, _D), jnp.float32),
            jax.ShapeDtypeStruct((_NW, _K), jnp.float32),
        ],
        scratch_types=[
            pltpu.VMEM((rows_per,), jnp.int32),
            pltpu.VMEM((rows_per, _D), jnp.float32),
            pltpu.VMEM((_K,), jnp.float32),
            pltpu.SemaphoreType.DMA,
        ],
        compiler_params=pltpu.CompilerParams(
            needs_layout_passes=False, use_tc_tiling_on_sc=False),
    )
    def sc_k(cb_hbm, idx_hbm, zq_hbm, cnts_hbm, idx_v, rows_v, cnt_v, sem):
        wid = lax.axis_index("s") * 2 + lax.axis_index("c")
        base = wid * rows_per
        pltpu.sync_copy(idx_hbm.at[pl.ds(base, rows_per)], idx_v)
        pltpu.async_copy(cb_hbm.at[idx_v], rows_v, sem).wait()
        pltpu.sync_copy(rows_v, zq_hbm.at[pl.ds(base, rows_per)])

        def zero_step(t, _):
            cnt_v[pl.ds(t * 16, 16)] = jnp.zeros((16,), jnp.float32)
            return _

        lax.fori_loop(0, _K // 16, zero_step, None)

        ones = jnp.ones((16,), jnp.float32)

        def hist_step(t, _):
            iv = idx_v[pl.ds(t * 16, 16)]
            plsc.addupdate_scatter(cnt_v, [iv], ones)
            return _

        lax.fori_loop(0, rows_per // 16, hist_step, None)
        pltpu.sync_copy(cnt_v, cnts_hbm.at[wid])

    return sc_k(codebook, idx_flat)


def _perp_body(m, cnts_ref, perp_ref):
    c = jnp.sum(cnts_ref[...], axis=0)
    p = c / m
    ent = -jnp.sum(p * jnp.log(p + 1e-10))
    perp_ref[...] = jnp.exp(ent).reshape(1, 1)


def _tc_perplexity(cnts, m):
    return pl.pallas_call(
        functools.partial(_perp_body, m),
        out_shape=jax.ShapeDtypeStruct((1, 1), jnp.float32),
    )(cnts)


def kernel(z, codebook):
    b, t, d = z.shape
    m = b * t
    flat = z.reshape(m, d)
    idx_flat, loss = _tc_argmin(flat, codebook)
    zq, cnts = _sc_gather_counts(codebook, idx_flat)
    perp = _tc_perplexity(cnts, m)
    return (zq.reshape(b, t, d), loss[0, 0], idx_flat.reshape(b, t),
            perp[0, 0])

# --- scband reference (transcript-rebuilt; emitter-appended) ---
"""Pipeline reference for scband-vector-quantizer-50783693308504 (READ-ONLY COPY).

The authoritative reference and input builder live on the scoring server;
editing this copy changes nothing except your own understanding.
"""

import jax, jax.numpy as jnp
import numpy as np

K = 8192
D = 32
BETA = 0.25


def setup_inputs(seed: int = 0) -> dict:
    key = jax.random.key(seed)
    k1, k2 = jax.random.split(key)
    z = jax.random.normal(k1, (16, 1024, D), dtype=jnp.float32)
    codebook = jax.random.normal(k2, (K, D), dtype=jnp.float32)
    return {"z": z, "codebook": codebook}


def reference(z, codebook):
    B, T, Dd = z.shape
    flat = z.reshape(-1, Dd)
    # squared L2 distances to every codebook entry
    dist = (
        jnp.sum(flat * flat, axis=1, keepdims=True)
        - 2.0 * (flat @ codebook.T)
        + jnp.sum(codebook * codebook, axis=1)[None, :]
    )
    indices = jnp.argmin(dist, axis=1)
    z_q = jnp.take(codebook, indices, axis=0).reshape(B, T, Dd)
    # EMA mode: vq_loss is beta * commitment loss (codebook updated via EMA, not gradient)
    commitment = jnp.mean((jax.lax.stop_gradient(z_q) - z) ** 2)
    vq_loss = BETA * commitment
    # straight-through estimator
    z_q_ste = z + jax.lax.stop_gradient(z_q - z)
    # perplexity of code usage
    onehot = jax.nn.one_hot(indices, K, dtype=jnp.float32)
    avg_probs = jnp.mean(onehot, axis=0)
    perplexity = jnp.exp(-jnp.sum(avg_probs * jnp.log(avg_probs + 1e-10)))
    return z_q_ste, vq_loss, indices.reshape(B, T), perplexity

if __name__ == "__main__":
    import jax
    _d = setup_inputs()
    print(jax.jit(kernel)(*tuple(_d.values())))

</pallas_src>

<mosaic_0001>
#map = affine_map<(d0, d1) -> (0, 0)>
#map1 = affine_map<(d0, d1) -> (0)>
module attributes {stable_mosaic.version = 14 : i64} {
  func.func @sc_k(%arg0: i32, %arg1: i32, %arg2: memref<8192x32xf32, #tpu.memory_space<hbm>>, %arg3: memref<16384xi32, #tpu.memory_space<hbm>>, %arg4: memref<16384x32xf32, #tpu.memory_space<hbm>>, %arg5: memref<32x8192xf32, #tpu.memory_space<hbm>>, %arg6: memref<512xi32, #tpu.memory_space<vmem>>, %arg7: memref<512x32xf32, #tpu.memory_space<vmem>>, %arg8: memref<8192xf32, #tpu.memory_space<vmem>>, %arg9: memref<!tpu.dma_semaphore, #tpu.memory_space<semaphore_mem>>) attributes {dimension_semantics = [#tpu.dimension_semantics<core_parallel>, #tpu.dimension_semantics<subcore_parallel>], iteration_bounds = array<i64: 2, 16>, scalar_prefetch = 0 : i64, scratch_operands = 4 : i64, tpu.core_type = #tpu.core_type<sc_vector_subcore>, window_params = [{transform_indices = #map}, {transform_indices = #map1}, {transform_indices = #map}, {transform_indices = #map}]} {
    %mul3A = arith.constant 2 : i32
    %mul3A_0 = arith.muli %arg1, %mul3A : i32
    %add3A = arith.addi %mul3A_0, %arg0 : i32
    %mul3A_1 = arith.constant 512 : i32
    %mul3A_2 = arith.muli %add3A, %mul3A_1 : i32
    "tpu.region"() ({
      %run_scoped3A = tpu.sem_alloc : memref<!tpu.dma_semaphore, #tpu.memory_space<semaphore_mem>>
      %dma_start3A_17 = tpu.memref_slice %arg3[%mul3A_2] : memref<16384xi32, #tpu.memory_space<hbm>> -> memref<512xi32, #tpu.memory_space<hbm>>
      %dma_start3A_18 = tpu.memref_slice %arg3[%mul3A_2] : memref<16384xi32, #tpu.memory_space<hbm>> -> memref<512xi32, #tpu.memory_space<hbm>>
      tpu.enqueue_dma source(%dma_start3A_18 : memref<512xi32, #tpu.memory_space<hbm>>) target(%arg6 : memref<512xi32, #tpu.memory_space<vmem>>) target_semaphore(%run_scoped3A : memref<!tpu.dma_semaphore, #tpu.memory_space<semaphore_mem>>)
      %dma_wait3A_19 = tpu.memref_slice %arg3[%mul3A_2] : memref<16384xi32, #tpu.memory_space<hbm>> -> memref<512xi32, #tpu.memory_space<hbm>>
      %dma_wait3A_20 = tpu.memref_slice %arg3[%mul3A_2] : memref<16384xi32, #tpu.memory_space<hbm>> -> memref<512xi32, #tpu.memory_space<hbm>>
      tpu.wait_dma2 semaphore(%run_scoped3A : memref<!tpu.dma_semaphore, #tpu.memory_space<semaphore_mem>>) src(%dma_wait3A_20 : memref<512xi32, #tpu.memory_space<hbm>>) dst(%arg6 : memref<512xi32, #tpu.memory_space<vmem>>)
      tpu.yield
    }) : () -> ()
    %dma_start3A = arith.constant 0 : i32
    %dma_start3A_3 = arith.constant 0 : i32
    %dma_start3A_4 = tpu.memref_slice %arg2[%dma_start3A, %dma_start3A_3] : memref<8192x32xf32, #tpu.memory_space<hbm>> -> memref<8192x32xf32, #tpu.memory_space<hbm>>
    tpu.enqueue_indirect_dma source(%dma_start3A_4 : memref<8192x32xf32, #tpu.memory_space<hbm>>) target(%arg7 : memref<512x32xf32, #tpu.memory_space<vmem>>) offsets(%arg6 : memref<512xi32, #tpu.memory_space<vmem>>) semaphore(%arg9 : memref<!tpu.dma_semaphore, #tpu.memory_space<semaphore_mem>>)
    %dma_wait3A = arith.constant 0 : i32
    %dma_wait3A_5 = arith.constant 0 : i32
    %dma_wait3A_6 = tpu.memref_slice %arg2[%dma_wait3A, %dma_wait3A_5] : memref<8192x32xf32, #tpu.memory_space<hbm>> -> memref<8192x32xf32, #tpu.memory_space<hbm>>
    tpu.wait_indirect_dma semaphore(%arg9 : memref<!tpu.dma_semaphore, #tpu.memory_space<semaphore_mem>>) src(%dma_wait3A_6 : memref<8192x32xf32, #tpu.memory_space<hbm>>) dst(%arg7 : memref<512x32xf32, #tpu.memory_space<vmem>>)
    "tpu.region"() ({
      %run_scoped3A = tpu.sem_alloc : memref<!tpu.dma_semaphore, #tpu.memory_space<semaphore_mem>>
      %dma_start3A_17 = arith.constant 0 : i32
      %dma_start3A_18 = tpu.memref_slice %arg4[%mul3A_2, %dma_start3A_17] : memref<16384x32xf32, #tpu.memory_space<hbm>> -> memref<512x32xf32, #tpu.memory_space<hbm>>
      %dma_start3A_19 = arith.constant 0 : i32
      %dma_start3A_20 = tpu.memref_slice %arg4[%mul3A_2, %dma_start3A_19] : memref<16384x32xf32, #tpu.memory_space<hbm>> -> memref<512x32xf32, #tpu.memory_space<hbm>>
      tpu.enqueue_dma source(%arg7 : memref<512x32xf32, #tpu.memory_space<vmem>>) target(%dma_start3A_20 : memref<512x32xf32, #tpu.memory_space<hbm>>) target_semaphore(%run_scoped3A : memref<!tpu.dma_semaphore, #tpu.memory_space<semaphore_mem>>)
      %dma_wait3A_21 = arith.constant 0 : i32
      %dma_wait3A_22 = tpu.memref_slice %arg4[%mul3A_2, %dma_wait3A_21] : memref<16384x32xf32, #tpu.memory_space<hbm>> -> memref<512x32xf32, #tpu.memory_space<hbm>>
      %dma_wait3A_23 = arith.constant 0 : i32
      %dma_wait3A_24 = tpu.memref_slice %arg4[%mul3A_2, %dma_wait3A_23] : memref<16384x32xf32, #tpu.memory_space<hbm>> -> memref<512x32xf32, #tpu.memory_space<hbm>>
      tpu.wait_dma2 semaphore(%run_scoped3A : memref<!tpu.dma_semaphore, #tpu.memory_space<semaphore_mem>>) src(%arg7 : memref<512x32xf32, #tpu.memory_space<vmem>>) dst(%dma_wait3A_24 : memref<512x32xf32, #tpu.memory_space<hbm>>)
      tpu.yield
    }) : () -> ()
    %scan3A = arith.constant 0 : i32
    %scan3A_7 = arith.constant 512 : i32
    %scan3A_8 = arith.addi %scan3A, %scan3A_7 : i32
    %scan3A_9 = arith.constant 1 : i32
    scf.for %scan3A_17 = %scan3A to %scan3A_8 step %scan3A_9  : i32 {
      %broadcast_in_dim3A_18 = arith.constant 0.000000e+00 : f32
      %broadcast_in_dim3A_19 = vector.broadcast %broadcast_in_dim3A_18 : f32 to vector<16xf32>
      %mul3A_20 = arith.constant 16 : i32
      %mul3A_21 = arith.muli %scan3A_17, %mul3A_20 : i32
      %swap3A = arith.index_cast %mul3A_21 : i32 to index
      %swap3A_22 = tpu.vector_load %arg8[%swap3A] {strides = array<i32>} : memref<8192xf32, #tpu.memory_space<vmem>>, vector<16xf32>,
      tpu.vector_store %arg8[%swap3A], %broadcast_in_dim3A_19 {strides = array<i32>} : memref<8192xf32, #tpu.memory_space<vmem>>, vector<16xf32>,
    }
    %scan3A_10 = arith.constant 512 : i32
    %broadcast_in_dim3A = arith.constant 1.000000e+00 : f32
    %broadcast_in_dim3A_11 = vector.broadcast %broadcast_in_dim3A : f32 to vector<16xf32>
    %scan3A_12 = arith.constant 0 : i32
    %scan3A_13 = arith.constant 32 : i32
    %scan3A_14 = arith.addi %scan3A_12, %scan3A_13 : i32
    %scan3A_15 = arith.constant 1 : i32
    scf.for %scan3A_17 = %scan3A_12 to %scan3A_14 step %scan3A_15  : i32 {
      %mul3A_18 = arith.constant 16 : i32
      %mul3A_19 = arith.muli %scan3A_17, %mul3A_18 : i32
      %get3A = arith.index_cast %mul3A_19 : i32 to index
      %get3A_20 = tpu.vector_load %arg6[%get3A] {strides = array<i32>} : memref<512xi32, #tpu.memory_space<vmem>>, vector<16xi32>,
      tpu.vector_store_idx %arg8[%get3A_20], %broadcast_in_dim3A_11 {add = true} : memref<8192xf32, #tpu.memory_space<vmem>>[vector<16xi32>], vector<16xf32>,
    }
    %scan3A_16 = arith.constant 32 : i32
    "tpu.region"() ({
      %run_scoped3A = tpu.sem_alloc : memref<!tpu.dma_semaphore, #tpu.memory_space<semaphore_mem>>
      %dma_start3A_17 = arith.constant 0 : i32
      %dma_start3A_18 = tpu.memref_slice %arg5[%add3A, %dma_start3A_17] : memref<32x8192xf32, #tpu.memory_space<hbm>> -> memref<1x8192xf32, #tpu.memory_space<hbm>>
      %dma_start3A_19 = tpu.memref_squeeze %dma_start3A_18 : memref<1x8192xf32, #tpu.memory_space<hbm>> -> memref<8192xf32, #tpu.memory_space<hbm>>
      %dma_start3A_20 = arith.constant 0 : i32
      %dma_start3A_21 = tpu.memref_slice %arg5[%add3A, %dma_start3A_20] : memref<32x8192xf32, #tpu.memory_space<hbm>> -> memref<1x8192xf32, #tpu.memory_space<hbm>>
      %dma_start3A_22 = tpu.memref_squeeze %dma_start3A_21 : memref<1x8192xf32, #tpu.memory_space<hbm>> -> memref<8192xf32, #tpu.memory_space<hbm>>
      tpu.enqueue_dma source(%arg8 : memref<8192xf32, #tpu.memory_space<vmem>>) target(%dma_start3A_22 : memref<8192xf32, #tpu.memory_space<hbm>>) target_semaphore(%run_scoped3A : memref<!tpu.dma_semaphore, #tpu.memory_space<semaphore_mem>>)
      %dma_wait3A_23 = arith.constant 0 : i32
      %dma_wait3A_24 = tpu.memref_slice %arg5[%add3A, %dma_wait3A_23] : memref<32x8192xf32, #tpu.memory_space<hbm>> -> memref<1x8192xf32, #tpu.memory_space<hbm>>
      %dma_wait3A_25 = tpu.memref_squeeze %dma_wait3A_24 : memref<1x8192xf32, #tpu.memory_space<hbm>> -> memref<8192xf32, #tpu.memory_space<hbm>>
      %dma_wait3A_26 = arith.constant 0 : i32
      %dma_wait3A_27 = tpu.memref_slice %arg5[%add3A, %dma_wait3A_26] : memref<32x8192xf32, #tpu.memory_space<hbm>> -> memref<1x8192xf32, #tpu.memory_space<hbm>>
      %dma_wait3A_28 = tpu.memref_squeeze %dma_wait3A_27 : memref<1x8192xf32, #tpu.memory_space<hbm>> -> memref<8192xf32, #tpu.memory_space<hbm>>
      tpu.wait_dma2 semaphore(%run_scoped3A : memref<!tpu.dma_semaphore, #tpu.memory_space<semaphore_mem>>) src(%arg8 : memref<8192xf32, #tpu.memory_space<vmem>>) dst(%dma_wait3A_28 : memref<8192xf32, #tpu.memory_space<hbm>>)
      tpu.yield
    }) : () -> ()
    return
  }
}

module attributes {stable_mosaic.version = 14 : i64} {
  func.func @_argmin_body(%arg0: i32, %arg1: i32, %arg2: memref<256x32xf32, #tpu.memory_space<vmem>>, %arg3: memref<2048x32xf32, #tpu.memory_space<vmem>>, %arg4: memref<1x256xf32, #tpu.memory_space<vmem>>, %arg5: memref<2048x1xf32, #tpu.memory_space<vmem>>, %arg6: memref<1x1x256xi32, #tpu.memory_space<vmem>>, %arg7: memref<1x1xf32, #tpu.memory_space<vmem>>, %arg8: memref<1x256xf32, #tpu.memory_space<vmem>>, %arg9: memref<1x256xi32, #tpu.memory_space<vmem>>, %arg10: memref<1xf32, #tpu.memory_space<smem>>) attributes {dimension_semantics = [#tpu.dimension_semantics<arbitrary>, #tpu.dimension_semantics<arbitrary>], iteration_bounds = array<i64: 64, 4>, scalar_prefetch = 0 : i64, scratch_operands = 3 : i64, tpu.core_type = #tpu.core_type<tc>, window_params = [{transform_indices = @transform_0, window_bounds = array<i64: 256, 32>}, {transform_indices = @transform_1, window_bounds = array<i64: 2048, 32>}, {transform_indices = @transform_2, window_bounds = array<i64: 1, 256>}, {transform_indices = @transform_3, window_bounds = array<i64: 2048, 1>}, {transform_indices = @transform_4, window_bounds = array<i64: 1, 1, 256>}, {pipeline_mode = #tpu.pipeline_mode<synchronous>, transform_indices = @transform_5, window_bounds = array<i64: 1, 1>}]} {
    %get3A = arith.constant 0 : index
    %get3A_0 = arith.constant 0 : index
    %get3A_1 = vector.load %arg2[%get3A, %get3A_0] : memref<256x32xf32, #tpu.memory_space<vmem>>, vector<256x32xf32>
    %get3A_2 = arith.constant 0 : index
    %get3A_3 = arith.constant 0 : index
    %get3A_4 = vector.load %arg3[%get3A_2, %get3A_3] : memref<2048x32xf32, #tpu.memory_space<vmem>>, vector<2048x32xf32>
    %convert_element_type3A = arith.truncf %get3A_4 : vector<2048x32xf32> to vector<2048x32xbf16>
    %convert_element_type3A_5 = arith.truncf %get3A_1 : vector<256x32xf32> to vector<256x32xbf16>
    %dot_general3A = arith.constant dense<0.000000e+00> : vector<2048x256xf32>
    %dot_general3A_6 = tpu.matmul %convert_element_type3A, %convert_element_type3A_5, %dot_general3A {dimension_numbers = #tpu.dot_dimension_numbers<[1], [1], [0], [0], [0, 0, 1, 0], [], []>, transpose_lhs_hint = false} : vector<2048x32xbf16>, vector<256x32xbf16>, vector<2048x256xf32> -> vector<2048x256xf32>
    %get3A_7 = arith.constant 0 : index
    %get3A_8 = arith.constant 0 : index
    %get3A_9 = vector.load %arg4[%get3A_7, %get3A_8] : memref<1x256xf32, #tpu.memory_space<vmem>>, vector<1x256xf32>
    %mul3A = arith.constant 2.000000e+00 : f32
    %mul3A_10 = vector.broadcast %mul3A : f32 to vector<2048x256xf32>
    %mul3A_11 = arith.mulf %mul3A_10, %dot_general3A_6 : vector<2048x256xf32>
    %sub3A = vector.broadcast %get3A_9 : vector<1x256xf32> to vector<2048x256xf32>
    %sub3A_12 = arith.subf %sub3A, %mul3A_11 : vector<2048x256xf32>
    %get3A_13 = arith.constant 0 : index
    %get3A_14 = arith.constant 0 : index
    %get3A_15 = vector.load %arg5[%get3A_13, %get3A_14] : memref<2048x1xf32, #tpu.memory_space<vmem>>, vector<2048x1xf32>
    %add3A = vector.broadcast %get3A_15 : vector<2048x1xf32> to vector<2048x256xf32>
    %add3A_16 = arith.addf %sub3A_12, %add3A : vector<2048x256xf32>
    %reduce_min3A = arith.constant dense<0x7F800000> : vector<256xf32>
    %reduce_min3A_17 = vector.multi_reduction <minimumf>, %add3A_16, %reduce_min3A [0] : vector<2048x256xf32> to vector<256xf32>
    %broadcast_in_dim3A = vector.shape_cast %reduce_min3A_17 : vector<256xf32> to vector<1x256xf32>
    %eq3A = vector.broadcast %broadcast_in_dim3A : vector<1x256xf32> to vector<2048x256xf32>
    %eq3A_18 = arith.cmpf oeq, %add3A_16, %eq3A : vector<2048x256xf32>
    %iota3A = tpu.iota {dimensions = array<i32: 0>} : vector<2048x256xi32>
    %jit3A = arith.constant 8192 : i32
    %broadcast_in_dim3A_19 = vector.broadcast %jit3A : i32 to vector<2048x256xi32>
    %select_n3A = arith.select %eq3A_18, %iota3A, %broadcast_in_dim3A_19 : vector<2048x256xi1>, vector<2048x256xi32>
    %reduce_min3A_20 = arith.constant dense<2147483647> : vector<256xi32>
    %reduce_min3A_21 = vector.multi_reduction <minsi>, %select_n3A, %reduce_min3A_20 [0] : vector<2048x256xi32> to vector<256xi32>
    %mul3A_22 = arith.constant 2048 : i32
    %mul3A_23 = arith.muli %arg1, %mul3A_22 : i32
    %add3A_24 = vector.broadcast %mul3A_23 : i32 to vector<256xi32>
    %add3A_25 = arith.addi %reduce_min3A_21, %add3A_24 : vector<256xi32>
    %eq3A_26 = arith.constant 0 : i32
    %eq3A_27 = arith.cmpi eq, %arg1, %eq3A_26 : i32
    %convert_element_type3A_28 = arith.extui %eq3A_27 : i1 to i32
    %cond3A = arith.constant 0 : i32
    %cond3A_29 = arith.cmpi ne, %convert_element_type3A_28, %cond3A : i32
    scf.if %cond3A_29 {
      %broadcast_in_dim3A_54 = arith.constant 0x7F800000 : f32
      %broadcast_in_dim3A_55 = vector.broadcast %broadcast_in_dim3A_54 : f32 to vector<1x256xf32>
      %swap3A_56 = arith.constant 0 : index
      %swap3A_57 = arith.constant 0 : index
      %swap3A_58 = vector.load %arg8[%swap3A_56, %swap3A_57] : memref<1x256xf32, #tpu.memory_space<vmem>>, vector<1x256xf32>
      tpu.vector_store %arg8[%swap3A_56, %swap3A_57], %broadcast_in_dim3A_55 {strides = array<i32>} : memref<1x256xf32, #tpu.memory_space<vmem>>, vector<1x256xf32>,
      %broadcast_in_dim3A_59 = arith.constant 0 : i32
      %broadcast_in_dim3A_60 = vector.broadcast %broadcast_in_dim3A_59 : i32 to vector<1x256xi32>
      %swap3A_61 = arith.constant 0 : index
      %swap3A_62 = arith.constant 0 : index
      %swap3A_63 = vector.load %arg9[%swap3A_61, %swap3A_62] : memref<1x256xi32, #tpu.memory_space<vmem>>, vector<1x256xi32>
      tpu.vector_store %arg9[%swap3A_61, %swap3A_62], %broadcast_in_dim3A_60 {strides = array<i32>} : memref<1x256xi32, #tpu.memory_space<vmem>>, vector<1x256xi32>,
    } else {
    }
    %broadcast_in_dim3A_30 = vector.shape_cast %reduce_min3A_17 : vector<256xf32> to vector<1x256xf32>
    %get3A_31 = arith.constant 0 : index
    %get3A_32 = arith.constant 0 : index
    %get3A_33 = vector.load %arg8[%get3A_31, %get3A_32] : memref<1x256xf32, #tpu.memory_space<vmem>>, vector<1x256xf32>
    %lt3A = arith.cmpf olt, %broadcast_in_dim3A_30, %get3A_33 : vector<1x256xf32>
    %broadcast_in_dim3A_34 = vector.shape_cast %add3A_25 : vector<256xi32> to vector<1x256xi32>
    %get3A_35 = arith.constant 0 : index
    %get3A_36 = arith.constant 0 : index
    %get3A_37 = vector.load %arg9[%get3A_35, %get3A_36] : memref<1x256xi32, #tpu.memory_space<vmem>>, vector<1x256xi32>
    %select_n3A_38 = arith.select %lt3A, %broadcast_in_dim3A_34, %get3A_37 : vector<1x256xi1>, vector<1x256xi32>
    %swap3A = arith.constant 0 : index
    %swap3A_39 = arith.constant 0 : index
    %swap3A_40 = vector.load %arg9[%swap3A, %swap3A_39] : memref<1x256xi32, #tpu.memory_space<vmem>>, vector<1x256xi32>
    tpu.vector_store %arg9[%swap3A, %swap3A_39], %select_n3A_38 {strides = array<i32>} : memref<1x256xi32, #tpu.memory_space<vmem>>, vector<1x256xi32>,
    %broadcast_in_dim3A_41 = vector.shape_cast %reduce_min3A_17 : vector<256xf32> to vector<1x256xf32>
    %get3A_42 = arith.constant 0 : index
    %get3A_43 = arith.constant 0 : index
    %get3A_44 = vector.load %arg8[%get3A_42, %get3A_43] : memref<1x256xf32, #tpu.memory_space<vmem>>, vector<1x256xf32>
    %select_n3A_45 = arith.select %lt3A, %broadcast_in_dim3A_41, %get3A_44 : vector<1x256xi1>, vector<1x256xf32>
    %swap3A_46 = arith.constant 0 : index
    %swap3A_47 = arith.constant 0 : index
    %swap3A_48 = vector.load %arg8[%swap3A_46, %swap3A_47] : memref<1x256xf32, #tpu.memory_space<vmem>>, vector<1x256xf32>
    tpu.vector_store %arg8[%swap3A_46, %swap3A_47], %select_n3A_45 {strides = array<i32>} : memref<1x256xf32, #tpu.memory_space<vmem>>, vector<1x256xf32>,
    %eq3A_49 = arith.constant 3 : i32
    %eq3A_50 = arith.cmpi eq, %arg1, %eq3A_49 : i32
    %convert_element_type3A_51 = arith.extui %eq3A_50 : i1 to i32
    %cond3A_52 = arith.constant 0 : i32
    %cond3A_53 = arith.cmpi ne, %convert_element_type3A_51, %cond3A_52 : i32
    scf.if %cond3A_53 {
      %get3A_54 = arith.constant 0 : index
      %get3A_55 = arith.constant 0 : index
      %get3A_56 = vector.load %arg9[%get3A_54, %get3A_55] : memref<1x256xi32, #tpu.memory_space<vmem>>, vector<1x256xi32>
      %reshape3A = vector.shape_cast %get3A_56 : vector<1x256xi32> to vector<1x1x256xi32>
      %swap3A_57 = arith.constant 0 : index
      %swap3A_58 = arith.constant 0 : index
      %swap3A_59 = arith.constant 0 : index
      %swap3A_60 = vector.load %arg6[%swap3A_57, %swap3A_58, %swap3A_59] : memref<1x1x256xi32, #tpu.memory_space<vmem>>, vector<1x1x256xi32>
      tpu.vector_store %arg6[%swap3A_57, %swap3A_58, %swap3A_59], %reshape3A {strides = array<i32>} : memref<1x1x256xi32, #tpu.memory_space<vmem>>, vector<1x1x256xi32>,
      %eq3A_61 = arith.constant 0 : i32
      %eq3A_62 = arith.cmpi eq, %arg0, %eq3A_61 : i32
      %convert_element_type3A_63 = arith.extui %eq3A_62 : i1 to i32
      %cond3A_64 = arith.constant 0 : i32
      %cond3A_65 = arith.cmpi ne, %convert_element_type3A_63, %cond3A_64 : i32
      scf.if %cond3A_65 {
        %swap3A_83 = arith.constant 0.000000e+00 : f32
        %swap3A_84 = arith.constant 0 : index
        %swap3A_85 = memref.load %arg10[%swap3A_84] : memref<1xf32, #tpu.memory_space<smem>>
        memref.store %swap3A_83, %arg10[%swap3A_84] : memref<1xf32, #tpu.memory_space<smem>>
      } else {
      }
      %get3A_66 = arith.constant 0 : index
      %get3A_67 = memref.load %arg10[%get3A_66] : memref<1xf32, #tpu.memory_space<smem>>
      %get3A_68 = arith.constant 0 : index
      %get3A_69 = arith.constant 0 : index
      %get3A_70 = vector.load %arg8[%get3A_68, %get3A_69] : memref<1x256xf32, #tpu.memory_space<vmem>>, vector<1x256xf32>
      %reduce_sum3A = vector.shape_cast %get3A_70 : vector<1x256xf32> to vector<1x1x256xf32>
      %reduce_sum3A_71 = arith.constant dense<0.000000e+00> : vector<1xf32>
      %reduce_sum3A_72 = vector.multi_reduction <add>, %reduce_sum3A, %reduce_sum3A_71 [1, 2] : vector<1x1x256xf32> to vector<1xf32>
      %reduce_sum3A_73 = vector.shape_cast %reduce_sum3A_72 : vector<1xf32> to vector<1x1x1xf32>
      %reduce_sum3A_74 = vector.extract %reduce_sum3A_73[0, 0, 0] : f32 from vector<1x1x1xf32>
      %add3A_75 = arith.addf %get3A_67, %reduce_sum3A_74 : f32
      %swap3A_76 = arith.constant 0 : index
      %swap3A_77 = memref.load %arg10[%swap3A_76] : memref<1xf32, #tpu.memory_space<smem>>
      memref.store %add3A_75, %arg10[%swap3A_76] : memref<1xf32, #tpu.memory_space<smem>>
      %eq3A_78 = arith.constant 63 : i32
      %eq3A_79 = arith.cmpi eq, %arg0, %eq3A_78 : i32
      %convert_element_type3A_80 = arith.extui %eq3A_79 : i1 to i32
      %cond3A_81 = arith.constant 0 : i32
      %cond3A_82 = arith.cmpi ne, %convert_element_type3A_80, %cond3A_81 : i32
      scf.if %cond3A_82 {
        %get3A_83 = arith.constant 0 : index
        %get3A_84 = memref.load %arg10[%get3A_83] : memref<1xf32, #tpu.memory_space<smem>>
        %mul3A_85 = arith.constant 2.500000e-01 : f32
        %mul3A_86 = arith.mulf %mul3A_85, %get3A_84 : f32
        %div3A = arith.constant 5.242880e+05 : f32
        %div3A_87 = arith.divf %mul3A_86, %div3A : f32
        %reshape3A_88 = vector.broadcast %div3A_87 : f32 to vector<1x1xf32>
        %swap3A_89 = arith.constant 0 : index
        %swap3A_90 = arith.constant 0 : index
        %swap3A_91 = vector.load %arg7[%swap3A_89, %swap3A_90] : memref<1x1xf32, #tpu.memory_space<vmem>>, vector<1x1xf32>
        tpu.vector_store %arg7[%swap3A_89, %swap3A_90], %reshape3A_88 {strides = array<i32>} : memref<1x1xf32, #tpu.memory_space<vmem>>, vector<1x1xf32>,
      } else {
      }
    } else {
    }
    return
  }
  func.func @transform_0(%arg0: i32, %arg1: i32) -> (i32, i32) {
    %c0_i32 = arith.constant 0 : i32
    %c0_i32_0 = arith.constant 0 : i32
    return %arg0, %c0_i32 : i32, i32
  }
  func.func @transform_1(%arg0: i32, %arg1: i32) -> (i32, i32) {
    %c0_i32 = arith.constant 0 : i32
    %c0_i32_0 = arith.constant 0 : i32
    return %arg1, %c0_i32 : i32, i32
  }
  func.func @transform_2(%arg0: i32, %arg1: i32) -> (i32, i32) {
    %c0_i32 = arith.constant 0 : i32
    %c0_i32_0 = arith.constant 0 : i32
    return %c0_i32, %arg0 : i32, i32
  }
  func.func @transform_3(%arg0: i32, %arg1: i32) -> (i32, i32) {
    %c0_i32 = arith.constant 0 : i32
    %c0_i32_0 = arith.constant 0 : i32
    return %arg1, %c0_i32 : i32, i32
  }
  func.func @transform_4(%arg0: i32, %arg1: i32) -> (i32, i32, i32) {
    %c0_i32 = arith.constant 0 : i32
    %c0_i32_0 = arith.constant 0 : i32
    %c0_i32_1 = arith.constant 0 : i32
    return %arg0, %c0_i32, %c0_i32_0 : i32, i32, i32
  }
  func.func @transform_5(%arg0: i32, %arg1: i32) -> (i32, i32) {
    %c0_i32 = arith.constant 0 : i32
    %c0_i32_0 = arith.constant 0 : i32
    %c0_i32_1 = arith.constant 0 : i32
    return %c0_i32, %c0_i32_0 : i32, i32
  }
}

module attributes {stable_mosaic.version = 14 : i64} {
  func.func @_perp_body(%arg0: memref<32x8192xf32, #tpu.memory_space<vmem>>, %arg1: memref<1x1xf32, #tpu.memory_space<vmem>>) attributes {dimension_semantics = [], scalar_prefetch = 0 : i64, scratch_operands = 0 : i64, tpu.core_type = #tpu.core_type<tc>} {
    %get3A = arith.constant 0 : index
    %get3A_0 = arith.constant 0 : index
    %get3A_1 = vector.load %arg0[%get3A, %get3A_0] : memref<32x8192xf32, #tpu.memory_space<vmem>>, vector<32x8192xf32>
    %reduce_sum3A = arith.constant dense<0.000000e+00> : vector<8192xf32>
    %reduce_sum3A_2 = vector.multi_reduction <add>, %get3A_1, %reduce_sum3A [0] : vector<32x8192xf32> to vector<8192xf32>
    %div3A = arith.constant 1.638400e+04 : f32
    %div3A_3 = vector.broadcast %div3A : f32 to vector<8192xf32>
    %div3A_4 = arith.divf %reduce_sum3A_2, %div3A_3 : vector<8192xf32>
    %add3A = arith.constant 1.000000e-10 : f32
    %add3A_5 = vector.broadcast %add3A : f32 to vector<8192xf32>
    %add3A_6 = arith.addf %div3A_4, %add3A_5 : vector<8192xf32>
    %log3A = math.log %add3A_6 : vector<8192xf32>
    %mul3A = arith.mulf %div3A_4, %log3A : vector<8192xf32>
    %reduce_sum3A_7 = vector.shape_cast %mul3A : vector<8192xf32> to vector<1x8192xf32>
    %reduce_sum3A_8 = arith.constant dense<0.000000e+00> : vector<1xf32>
    %reduce_sum3A_9 = vector.multi_reduction <add>, %reduce_sum3A_7, %reduce_sum3A_8 [1] : vector<1x8192xf32> to vector<1xf32>
    %reduce_sum3A_10 = vector.shape_cast %reduce_sum3A_9 : vector<1xf32> to vector<1x1xf32>
    %reduce_sum3A_11 = vector.extract %reduce_sum3A_10[0, 0] : f32 from vector<1x1xf32>
    %neg3A = arith.constant 0.000000e+00 : f32
    %neg3A_12 = arith.subf %neg3A, %reduce_sum3A_11 : f32
    %exp3A = math.exp %neg3A_12 : f32
    %reshape3A = vector.broadcast %exp3A : f32 to vector<1x1xf32>
    %swap3A = arith.constant 0 : index
    %swap3A_13 = arith.constant 0 : index
    %swap3A_14 = vector.load %arg1[%swap3A, %swap3A_13] : memref<1x1xf32, #tpu.memory_space<vmem>>, vector<1x1xf32>
    tpu.vector_store %arg1[%swap3A, %swap3A_13], %reshape3A {strides = array<i32>} : memref<1x1xf32, #tpu.memory_space<vmem>>, vector<1x1xf32>,
    return
  }
}

</mosaic_0001>

<sc_bundles>
// kernel: kernel.5.cloned.1.call-start
scs
__scs_entry_jumppad:
0x0: {  	(pc) =	sbr.rel $0x88, $3  }
0x1: {  	(tag) =	ssettag $0x0;
	lr =	simm.s32 $0x1  }
0x2: {  	[smem:$0x3F9F] =	sst lr;
	_ =	strace $0xD0000000  }
0x3: {  	_ = 	snop  }
0x4: {  	_ = 	snop  }
0x5: {  	_ = 	snop  }
0x6: {  	_ = 	snop  }
0x7: {  	_ = 	snop  }
__scs_overlays_trampoline_lowered:
0x8: {  	[smem:$0x3FAE] =	sst s0  }
0x9: {  	[smem:$0x3FAF] =	sst s1  }
0xa: {  	[smem:$0x3FB0] =	sst s2  }
0xb: {  	[smem:$0x3FB1] =	sst s3  }
0xc: {  	[smem:$0x3FB2] =	sst s4  }
0xd: {  	[smem:$0x3FB3] =	sst s5  }
0xe: {  	[smem:$0x3FB4] =	sst s6  }
0xf: {  	[smem:$0x3FB5] =	sst s7  }
0x10: {  	[smem:$0x3FB6] =	sst s8  }
0x11: {  	[smem:$0x3FB7] =	sst s9;
	s0 =	simm.s32 @!p0 $0x0  }
0x12: {  	s1 =	sld [smem:$0x3F9D];
	s0 =	simm.s32 @p0 $0x1  }
0x13: {  	[smem:$0x3FB8] =	sst s0;
	s0 =	simm.s32 @!p1 $0x0  }
0x14: {  	s2 =	sld [smem:$0x3F9C];
	s0 =	simm.s32 @p1 $0x1  }
0x15: {  	[smem:$0x3FB9] =	sst s0;
	s0 =	simm.s32 @!p2 $0x0  }
0x16: {  	s3 =	sld [smem:$0x3FDB];
	s0 =	simm.s32 @p2 $0x1  }
0x17: {  	s4 =	simm.s32 $0x1BF5;
	[smem:$0x3FBB] =	sst s0  }
0x18: {  	s0 =	sld [smem:$0x3F9E];
	_ =	swait.ge [sflag:s4], $0x0  }
0x19: {  	s7 =	sld [smem:$0x3F9F]  }
0x1a: {  	s8 =	sadd.s32 $0xFFFFE003, lr  }
0x1b: {  	s9 =	sadd.s32 $0xFFFFFEF7, lr;
	s5 =	simm.s32 $0xFFFFFFFF;
	p2 =	slt.u32 s8, $0xFFFFF086  }
0x1c: {  	p1 =	slt.u32 s9, $0xF7A;
	s5 =	simm.s32 @!p2 $0x0  }
0x1d: {  	s5 =	simm.s32 @p1 $0x1;
	p0 =	seq.s32 s7, s2  }
0x1e: {  	s7 =	smul.u32 @!p0 $0xF7A, s2;
	p2 =	seq.s32 @!p0 s5, $0x0  }
0x1f: {  	s9 =	smul.u32 $0xF7A, s1;
	s8 =	simm.s32 @!p0 $0x1BF5;
	p2 =	por !p2, p0  }
0x20: {  	[sflag:s8] =	ssyncset.s32 @!p0 $0xFFFFF086;
	s6 =	sadd.s32 @!p0 s3, s7;
	s7 =	simm.s32 @!p0 $0x108  }
0x21: {  	s3 =	sadd.s32 s3, s9;
	s6 =	sadd.s32 @!p0 $0x88, s6;
	s7 =	simm.s32 @p2 $0x1082  }
0x22: {  	[simem:s7], [sflag:s8] =	dma.local @!p0 [hbm:s6], $0xF7A  }
0x23: {  	s9 =	sor.u32 $0xD0000000, s2;
	s6 =	simm.s32 $0x108;
	_ =	swait.ge @!p0 [sflag:s8], $0x0  }
0x24: {  	s3 =	sadd.s32 $0x88, s3;
	s6 =	simm.s32 @!p1 $0x1082;
	[sflag:s4] =	ssyncset.s32 $0xFFFFF086  }
0x25: {  	[simem:s6], [sflag:s4] =	dma.local [hbm:s3], $0xF7A  }
0x26: {  	[smem:$0x3F9F] =	sst s1;
	(tag) =	ssettag s2;
	_ =	strace s9  }
0x27: {  	s1 =	sld [smem:$0x3FAF]  }
0x28: {  	s2 =	sld [smem:$0x3FB0]  }
0x29: {  	s4 =	sld [smem:$0x3FB2]  }
0x2a: {  	p0 =	seq.s32 s5, $0x0;
	s5 =	sld [smem:$0x3FB3]  }
0x2b: {  	s6 =	sld [smem:$0x3FB4]  }
0x2c: {  	s7 =	sld [smem:$0x3FB5]  }
0x2d: {  	s3 =	simm.s32 $0x108;
	s8 =	sld [smem:$0x3FB6]  }
0x2e: {  	s3 =	simm.s32 @!p0 $0x1082;
	s9 =	sld [smem:$0x3FB7]  }
0x2f: {  	lr =	sadd.s32 s0, s3;
	s0 =	sld [smem:$0x3FAE]  }
0x30: {  	s3 =	sld [smem:$0x3FB1]  }
0x31: {  	[smem:$0x3FBA] =	sst s10  }
0x32: {  	s10 =	sld [smem:$0x3FB8];
	_ =	sdelay $0x3  }
0x33: {  	p0 =	seq.s32 s10, $0x1;
	s10 =	sld [smem:$0x3FBA];
	_ =	sdelay $0x3  }
0x34: {  	[smem:$0x3FBA] =	sst s10  }
0x35: {  	s10 =	sld [smem:$0x3FB9];
	_ =	sdelay $0x3  }
0x36: {  	p1 =	seq.s32 s10, $0x1;
	s10 =	sld [smem:$0x3FBA];
	_ =	sdelay $0x3  }
0x37: {  	[smem:$0x3FBA] =	sst s10  }
0x38: {  	s10 =	sld [smem:$0x3FBB]  }
0x39: {  	_ = 	snop;
	(pc) =	sbr.ind lr, $3  }
0x3a: {  	_ = 	snop  }
0x3b: {  	_ = 	snop  }
0x3c: {  	p2 =	seq.s32 s10, $0x1;
	s10 =	sld [smem:$0x3FBA]  }
0x3d: {  	_ =	shalt  }
0x3e: {  	_ =	shalt  }
0x3f: {  	_ =	shalt  }
0x40: {  	_ =	shalt  }
0x41: {  	_ =	shalt  }
0x42: {  	_ =	shalt  }
0x43: {  	_ =	shalt  }
0x44: {  	_ =	shalt  }
0x45: {  	_ =	shalt  }
0x46: {  	_ =	shalt  }
0x47: {  	_ =	shalt  }
0x48: {  	_ =	shalt  }
0x49: {  	_ =	shalt  }
0x4a: {  	_ =	shalt  }
0x4b: {  	_ =	shalt  }
0x4c: {  	_ =	shalt  }
0x4d: {  	_ =	shalt  }
0x4e: {  	_ =	shalt  }
0x4f: {  	_ =	shalt  }
0x50: {  	_ =	shalt  }
0x51: {  	_ =	shalt  }
0x52: {  	_ =	shalt  }
0x53: {  	_ =	shalt  }
0x54: {  	_ =	shalt  }
0x55: {  	_ =	shalt  }
0x56: {  	_ =	shalt  }
0x57: {  	_ =	shalt  }
0x58: {  	_ =	shalt  }
0x59: {  	_ =	shalt  }
0x5a: {  	_ =	shalt  }
0x5b: {  	_ =	shalt  }
0x5c: {  	_ =	shalt  }
0x5d: {  	_ =	shalt  }
0x5e: {  	_ =	shalt  }
0x5f: {  	_ =	shalt  }
0x60: {  	_ =	shalt  }
0x61: {  	_ =	shalt  }
0x62: {  	_ =	shalt  }
0x63: {  	_ =	shalt  }
0x64: {  	_ =	shalt  }
0x65: {  	_ =	shalt  }
0x66: {  	_ =	shalt  }
0x67: {  	_ =	shalt  }
0x68: {  	_ =	shalt  }
0x69: {  	_ =	shalt  }
0x6a: {  	_ =	shalt  }
0x6b: {  	_ =	shalt  }
0x6c: {  	_ =	shalt  }
0x6d: {  	_ =	shalt  }
0x6e: {  	_ =	shalt  }
0x6f: {  	_ =	shalt  }
0x70: {  	_ =	shalt  }
0x71: {  	_ =	shalt  }
0x72: {  	_ =	shalt  }
0x73: {  	_ =	shalt  }
0x74: {  	_ =	shalt  }
0x75: {  	_ =	shalt  }
0x76: {  	_ =	shalt  }
0x77: {  	_ =	shalt  }
0x78: {  	_ =	shalt  }
0x79: {  	_ =	shalt  }
0x7a: {  	_ =	shalt  }
0x7b: {  	_ =	shalt  }
0x7c: {  	_ =	shalt  }
0x7d: {  	_ =	shalt  }
0x7e: {  	_ =	shalt  }
0x7f: {  	_ =	shalt  }
0x80: {  	_ =	shalt  }
0x81: {  	_ =	shalt  }
0x82: {  	_ =	shalt  }
0x83: {  	_ =	shalt  }
0x84: {  	_ =	shalt  }
0x85: {  	_ =	shalt  }
0x86: {  	_ =	shalt  }
0x87: {  	_ =	shalt  }
.Lfunc_end0:
.L_simem_size_0:
called_computation_lowered:
.L_overlay_start_0:
0x88: {  	s2 =	sld [smem:$0x3FD9]  }
0x89: {  	s3 =	sld [smem:$0x3FFE];
	_ =	sdelay $0x1  }
0x8a: {  	s1 =	srdreg.scid  }
0x8b: {  	s0 =	sand.u32 $0x1, s1  }
0x8c: {  	s14 =	sshll.u32 s0, $0xA;
	s2 =	sadd.s32 s3, s2  }
0x8d: {  	s2 =	sadd.s32 s2, s14  }
0x8e: {  	[smem:$0x3FC6] =	sst s2  }
0x8f: {  	_ = 	snop  }
0x90: {  	s2 =	sld [smem:$0x3FD0];
	_ =	sdelay $0x2  }
0x91: {  	s15 =	simm.s32 $0xA;
	s4 =	simm.s32 $0x10  }
0x92: {  	[smem:s4], [sflag:s15] =	dma.local [hbm:s2], $0x1  }
0x93: {  	_ =	swait.eq [sflag:s15], $0x1  }
0x94: {  	[sflag:s15] =	ssyncset.done $0x0  }
0x95: {  	[sflag:s15] =	ssyncadd.s32 $0xFFFFFFFF  }
0x96: {  	s16 =	sld [smem:$0x10];
	(tm) =	ssettm $0x1  }
0x97: {  	s17 =	sld [smem:$0x3FFB];
	_ =	sdelay $0x3  }
0x98: {  	_ =	strace s17  }
0x99: {  	s3 =	sld [smem:$0x3FFC];
	_ =	sdelay $0x3  }
0x9a: {  	_ =	strace s3  }
0x9b: {  	s3 =	sld [smem:$0x3FFD];
	_ =	sdelay $0x3  }
0x9c: {  	_ =	strace s3  }
0x9d: {  	_ =	strace $0x8FFFFFFF  }
0x9e: {  	s18 =	sld [smem:$0x3FDB];
	_ =	sdelay $0x1  }
0x9f: {  	s19 =	simm.s32 $_scs_section_size  }
0xa0: {  	s5 =	simm.s32 $_size__tile_overlayer_lowered;
	s6 =	simm.s32 $_tile_overlayer_lowered  }
0xa1: {  	s22 =	simm.s32 $0x1BFF;
	s21 =	sshll.u32 s6, $0x1;
	s3 =	sadd.s32 s19, s18  }
0xa2: {  	s7 =	simm.s32 $0x0;
	s20 =	sshll.u32 s5, $0x1;
	s5 =	sadd.s32 s21, s3  }
0xa3: {  	[timem:s7], [sflag:s22] =	dma.local [hbm:s5], s20  }
0xa4: {  	_ =	swait.ge [sflag:s22], s20  }
0xa5: {  	s4 =	ssub.s32 $0x0, s20;
	[sflag:s22] =	ssyncset.done $0x0  }
0xa6: {  	[sflag:s22] =	ssyncadd.s32 s4;
	_ =	sdelay $0x1  }
0xa7: {  	s23 =	simm.s32 $0x1B8B  }
0xa8: {  	_ =	swait.ge [sflag:s23], $0x1  }
0xa9: {  	[sflag:s23] =	ssyncset.done $0x0  }
0xaa: {  	s25 =	simm.s32 $0x1B8E;
	s24 =	sld [smem:$0x3FFE];
	[sflag:s23] =	ssyncadd.s32 $0xFFFFFFFF  }
0xab: {  	s26 =	simm.s32 $execute0_lowered;
	[smem:$0x3FD2] =	sst s25  }
0xac: {  	s5 =	sshll.u32 s26, $0x1;
	_ =	strace $0x80000046;
	[dreg:$0x1] =	wrdreg $0xFFFFFFFF  }
0xad: {  	s28 =	simm.s32 $_size_execute0_lowered;
	s3 =	sadd.s32 s3, s5;
	[dreg:$0x0] =	wrdreg $0x0  }
0xae: {  	s5 =	sshll.u32 s28, $0x1;
	[dreg:$0x2] =	wrdreg s3  }
0xaf: {  	[dreg:$0x3] =	wrdreg s5  }
0xb0: {  	[dreg:$0x4] =	wrdreg $0xC0  }
0xb1: {  	_ =	task [dreg:s7], $0x5FFFF  }
0xb2: {  	[dreg:$0x1] =	wrdreg $0xFFFFFFFF  }
0xb3: {  	[dreg:$0x0] =	wrdreg $0x60  }
0xb4: {  	[dreg:$0x2] =	wrdreg s24  }
0xb5: {  	[dreg:$0x3] =	wrdreg s16  }
0xb6: {  	[dreg:$0x4] =	wrdreg $0x9  }
0xb7: {  	_ =	task.clear_ibuf [dreg:s7], $0x5FFFF;
	_ =	strace $0x90000046  }
0xb8: {  	s29 =	simm.s32 $0x9;
	_ =	strace $0x80000048  }
0xb9: {  	_ =	swait.ge [sflag:s29], $0x1  }
0xba: {  	[sflag:s29] =	ssyncadd.s32 $0xFFFFFFFF  }
0xbb: {  	_ =	strace $0x90000048  }
0xbc: {  	_ =	sfence  }
0xbd: {  	s30 =	sld [smem:$0x0];
	_ =	sdelay $0x2  }
0xbe: {  	s31 =	sshll.u32 s1, $0xD;
	s1 =	sshrl.u32 s1, $0x2  }
0xbf: {  	s3 =	sand.u32 $0x4000, s31;
	s1 =	sadd.s32 s1, s30  }
0xc0: {  	s0 =	sor.u32 s3, s0;
	s1 =	sshll.u32 s1, $0x11  }
0xc1: {  	s0 =	sor.u32 s1, s0  }
0xc2: {  	s0 =	sadd.s32 $0x8F2B, s0  }
0xc3: {  	[sflag:s0] =	ssyncadd.remote.s32 $0x1  }
0xc4: {  	_ =	sfence.sel $0xFFFF  }
0xc5: {  	[dreg:$0x0] =	wrdreg $0xFFFFFFFF;
	(pc) =	sbr.abs _section_cstart, $3  }
0xc6: {  	[dreg:$0x1] =	wrdreg $0xFFFFFFFF  }
0xc7: {  	_ =	task.clear_ibuf [dreg:s7], $0x2FFFF;
	_ =	strace $0x9FFFFFFF  }
0xc8: {  	(tm) =	ssettm $0x7FFFFFFF  }
0xc9: {  	_ =	shalt  }
tec
execute0_lowered:
.L_overlay_start_1:
0x0: {  	(tag) =	ssettag $0x1  }
0x1: {  	s4 =	rddreg [dreg:$0x0]  }
0x2: {  	s5 =	rddreg [dreg:$0x1]  }
0x3: {  	s0 =	rddreg [dreg:$0x2];
	s2 =	simm.s32 $0x0;
	s3 =	srdreg.scid  }
0x4: {  	s1 =	stileid.u32;
	s11 =	simm.s32 $0x4200;
	s12 =	simm.s32 $0x0  }
0x5: {  	[smem:$0x7FF] =	sst s2;
	s6 =	sand.u32 $0x1, s3;
	s30 =	sshll.u32 s1, $0x1  }
0x6: {  	s3 =	sadd.s32 $0x400, s4;
	_ =	strace $0x80000047;
	s7 =	sor.u32 s6, s30  }
0x7: {  	s6 =	ssub.s32 $0x2, s6;
	s8 =	sshll.u32 s7, $0x6;
	s9 =	sshll.u32 s7, $0xA  }
0x8: {  	s10 =	sshrl.u32 s6, $0x1;
	s31 =	sshll.u32 s7, $0xB;
	s8 =	sadd.s32 s8, s4  }
0x9: {  	s9 =	sadd.s32 s9, s4;
	s10 =	ssub.s32 s6, s10;
	s5 =	sadd.s32 s5, s31  }
0xa: {  	s4 =	sadd.s32 $0x8400, s8;
	s6 =	sadd.s32 $0x8C00, s9;
	s7 =	smax.u32 s10, $0x1  }
0xb: {  	v0 =	vimm.f32 $0.0e+00;
	v1 =	vimm.f32 $1.000000000e+00;
	s8 =	simm.s32 $0x2;
	s9 =	simm.s32 $0x200;
	s10 =	simm.s32 $0x1  }
.LBB2_1:
0xc: {  	[tilespmem:s2], [sflag:$0x2] =	stream.linear.gather [hbm4b:s4+s2], $0x200, $0x38;
	[tilespmem:$0x6200] =	vst v63  }
0xd: {  	_ =	swait.ge [sflag:s8], $0x200  }
0xe: {  	[sflag:s8] =	ssyncset.done $0x0  }
0xf: {  	[sflag:s8] =	ssyncadd.s32 $0xFFFFFE00  }
0x10: {  	[tilespmem:s9], [sflag:$0x1] =	stream.indirect.gather [hbm4b:s3+s9], $0x20, s2, s9, $0xb8;
	[tilespmem:$0x6200] =	vst v63  }
0x11: {  	_ =	swait.ge [sflag:s10], $0x4000  }
0x12: {  	[sflag:s10] =	ssyncset.done $0x0  }
0x13: {  	[sflag:s10] =	ssyncadd.s32 $0xFFFFC000  }
0x14: {  	[hbm4b:s5+s2] =	stream.linear.scatter [tilespmem:s9], [sflag:$0x2], $0x4000, $0x38;
	[tilespmem:$0x6200] =	vst v63  }
0x15: {  	_ =	swait.ge [sflag:s8], $0x4000  }
0x16: {  	[sflag:s8] =	ssyncset.done $0x0  }
0x17: {  	s13 =	simm.s32 $0x40;
	s14 =	simm.s32 $0x0;
	[sflag:s8] =	ssyncadd.s32 $0xFFFFC000  }
.LBB2_2:
0x18: {  	p0 =	sne.s32 s13, $0x7FC0;
	[tilespmem:s14+$0x4200] =	vst v0;
	s14 =	smov.u32 s13;
	s13 =	sadd.s32 $0x40, s13  }
.Ltmp0:
0x19: {  	(pc) =	sbr.rel @p0 .LBB2_2-.Ltmp0, $2  }
0x1a: {  	_ =	sdelay $0x2  }
0x1b: {  	s14 =	sshra.s32 s14, $0x2  }
0x1c: {  	[tilespmem:s14+$0x4200] =	vst v0  }
0x1d: {  	v2 =	vld [tilespmem:$0x0];
	_ =	sdelay $0x7  }
0x1e: {  	[tilespmem:v2+s11+$0x0] =	vst.idx.add.f32.msk $0xffff, v1  }
0x1f: {  	v2 =	vld [tilespmem:$0x10];
	_ =	sdelay $0x7  }
0x20: {  	[tilespmem:v2+s11+$0x0] =	vst.idx.add.f32.msk $0xffff, v1  }
0x21: {  	v2 =	vld [tilespmem:$0x20];
	_ =	sdelay $0x7  }
0x22: {  	[tilespmem:v2+s11+$0x0] =	vst.idx.add.f32.msk $0xffff, v1  }
0x23: {  	v2 =	vld [tilespmem:$0x30];
	_ =	sdelay $0x7  }
0x24: {  	[tilespmem:v2+s11+$0x0] =	vst.idx.add.f32.msk $0xffff, v1  }
0x25: {  	v2 =	vld [tilespmem:$0x40];
	_ =	sdelay $0x7  }
0x26: {  	[tilespmem:v2+s11+$0x0] =	vst.idx.add.f32.msk $0xffff, v1  }
0x27: {  	v2 =	vld [tilespmem:$0x50];
	_ =	sdelay $0x7  }
0x28: {  	[tilespmem:v2+s11+$0x0] =	vst.idx.add.f32.msk $0xffff, v1  }
0x29: {  	v2 =	vld [tilespmem:$0x60];
	_ =	sdelay $0x7  }
0x2a: {  	[tilespmem:v2+s11+$0x0] =	vst.idx.add.f32.msk $0xffff, v1  }
0x2b: {  	v2 =	vld [tilespmem:$0x70];
	_ =	sdelay $0x7  }
0x2c: {  	[tilespmem:v2+s11+$0x0] =	vst.idx.add.f32.msk $0xffff, v1  }
0x2d: {  	v2 =	vld [tilespmem:$0x80];
	_ =	sdelay $0x7  }
0x2e: {  	[tilespmem:v2+s11+$0x0] =	vst.idx.add.f32.msk $0xffff, v1  }
0x2f: {  	v2 =	vld [tilespmem:$0x90];
	_ =	sdelay $0x7  }
0x30: {  	[tilespmem:v2+s11+$0x0] =	vst.idx.add.f32.msk $0xffff, v1  }
0x31: {  	v2 =	vld [tilespmem:$0xA0];
	_ =	sdelay $0x7  }
0x32: {  	[tilespmem:v2+s11+$0x0] =	vst.idx.add.f32.msk $0xffff, v1  }
0x33: {  	v2 =	vld [tilespmem:$0xB0];
	_ =	sdelay $0x7  }
0x34: {  	[tilespmem:v2+s11+$0x0] =	vst.idx.add.f32.msk $0xffff, v1  }
0x35: {  	v2 =	vld [tilespmem:$0xC0];
	_ =	sdelay $0x7  }
0x36: {  	[tilespmem:v2+s11+$0x0] =	vst.idx.add.f32.msk $0xffff, v1  }
0x37: {  	v2 =	vld [tilespmem:$0xD0];
	_ =	sdelay $0x7  }
0x38: {  	[tilespmem:v2+s11+$0x0] =	vst.idx.add.f32.msk $0xffff, v1  }
0x39: {  	v2 =	vld [tilespmem:$0xE0];
	_ =	sdelay $0x7  }
0x3a: {  	[tilespmem:v2+s11+$0x0] =	vst.idx.add.f32.msk $0xffff, v1  }
0x3b: {  	v2 =	vld [tilespmem:$0xF0];
	_ =	sdelay $0x7  }
0x3c: {  	[tilespmem:v2+s11+$0x0] =	vst.idx.add.f32.msk $0xffff, v1  }
0x3d: {  	v2 =	vld [tilespmem:$0x100];
	_ =	sdelay $0x7  }
0x3e: {  	[tilespmem:v2+s11+$0x0] =	vst.idx.add.f32.msk $0xffff, v1  }
0x3f: {  	v2 =	vld [tilespmem:$0x110];
	_ =	sdelay $0x7  }
0x40: {  	[tilespmem:v2+s11+$0x0] =	vst.idx.add.f32.msk $0xffff, v1  }
0x41: {  	v2 =	vld [tilespmem:$0x120];
	_ =	sdelay $0x7  }
0x42: {  	[tilespmem:v2+s11+$0x0] =	vst.idx.add.f32.msk $0xffff, v1  }
0x43: {  	v2 =	vld [tilespmem:$0x130];
	_ =	sdelay $0x7  }
0x44: {  	[tilespmem:v2+s11+$0x0] =	vst.idx.add.f32.msk $0xffff, v1  }
0x45: {  	v2 =	vld [tilespmem:$0x140];
	_ =	sdelay $0x7  }
0x46: {  	[tilespmem:v2+s11+$0x0] =	vst.idx.add.f32.msk $0xffff, v1  }
0x47: {  	v2 =	vld [tilespmem:$0x150];
	_ =	sdelay $0x7  }
0x48: {  	[tilespmem:v2+s11+$0x0] =	vst.idx.add.f32.msk $0xffff, v1  }
0x49: {  	v2 =	vld [tilespmem:$0x160];
	_ =	sdelay $0x7  }
0x4a: {  	[tilespmem:v2+s11+$0x0] =	vst.idx.add.f32.msk $0xffff, v1  }
0x4b: {  	v2 =	vld [tilespmem:$0x170];
	_ =	sdelay $0x7  }
0x4c: {  	[tilespmem:v2+s11+$0x0] =	vst.idx.add.f32.msk $0xffff, v1  }
0x4d: {  	v2 =	vld [tilespmem:$0x180];
	_ =	sdelay $0x7  }
0x4e: {  	[tilespmem:v2+s11+$0x0] =	vst.idx.add.f32.msk $0xffff, v1  }
0x4f: {  	v2 =	vld [tilespmem:$0x190];
	_ =	sdelay $0x7  }
0x50: {  	[tilespmem:v2+s11+$0x0] =	vst.idx.add.f32.msk $0xffff, v1  }
0x51: {  	v2 =	vld [tilespmem:$0x1A0];
	_ =	sdelay $0x7  }
0x52: {  	[tilespmem:v2+s11+$0x0] =	vst.idx.add.f32.msk $0xffff, v1  }
0x53: {  	v2 =	vld [tilespmem:$0x1B0];
	_ =	sdelay $0x7  }
0x54: {  	[tilespmem:v2+s11+$0x0] =	vst.idx.add.f32.msk $0xffff, v1  }
0x55: {  	v2 =	vld [tilespmem:$0x1C0];
	_ =	sdelay $0x7  }
0x56: {  	[tilespmem:v2+s11+$0x0] =	vst.idx.add.f32.msk $0xffff, v1  }
0x57: {  	v2 =	vld [tilespmem:$0x1D0];
	_ =	sdelay $0x7  }
0x58: {  	[tilespmem:v2+s11+$0x0] =	vst.idx.add.f32.msk $0xffff, v1  }
0x59: {  	v2 =	vld [tilespmem:$0x1E0];
	_ =	sdelay $0x7  }
0x5a: {  	[tilespmem:v2+s11+$0x0] =	vst.idx.add.f32.msk $0xffff, v1  }
0x5b: {  	v2 =	vld [tilespmem:$0x1F0];
	_ =	sdelay $0x5  }
0x5c: {  	s12 =	sadd.s32 $0x1, s12  }
0x5d: {  	p0 =	sne.s32 s12, s7  }
.Ltmp1:
0x5e: {  	[tilespmem:v2+s11+$0x0] =	vst.idx.add.f32.msk $0xffff, v1;
	(pc) =	sbr.rel @p0 .LBB2_1-.Ltmp1, $4  }
0x5f: {  	[hbm4b:s6+s2] =	stream.linear.scatter [tilespmem:s11], [sflag:$0x2], $0x2000, $0x38;
	[tilespmem:$0x6200] =	vst v63  }
0x60: {  	_ =	swait.ge [sflag:s8], $0x2000  }
0x61: {  	[sflag:s8] =	ssyncset.done $0x0  }
0x62: {  	[sflag:s8] =	ssyncadd.s32 $0xFFFFE000  }
0x63: {  	_ =	sfence.sel $0x180000  }
0x64: {  	[bflag:$0x0] =	sbarrier.arrive $0xFFFF  }
0x65: {  	p0 =	sne.s32 s1, $0x0;
	_ =	strace $0x90000047  }
0x66: {  	s0 =	sadd.s32 @!p0 $0x100000, s0;
	[bflag:$0x2] =	sbarrier.arrive $0xFFFF  }
0x67: {  	[sflag:s0] =	ssyncadd.tile.s32 @!p0 $0x1;
	_ =	shalt  }
.Lfunc_end2:
_tile_overlayer_lowered:
.L_overlay_start_2:
0x68: {  	(tag) =	ssettag $0x2  }
0x69: {  	s0 =	rddreg [dreg:$0x0];
	s2 =	stileid.u32  }
0x6a: {  	s1 =	rddreg [dreg:$0x1];
	p0 =	sne.s32 s2, $0x0  }
0x6b: {  	s3 =	rddreg [dreg:$0x2];
	[bflag:$0x3] =	sbarrier.arrive $0xFFFF;
	s2 =	simm.s32 @!p0 $0x1C02  }
0x6c: {  	[timem:s3], [sflag:s2] =	dma.local @!p0 [hbm:s0], s1  }
0x6d: {  	s0 =	simm.s32 @!p0 $0x2  }
0x6e: {  	_ =	swait.ge @!p0 [sflag:s0], s1  }
0x6f: {  	s1 =	ssub.s32 @!p0 $0x0, s1;
	[sflag:s0] =	ssyncset.done @!p0 $0x0  }
0x70: {  	[sflag:s0] =	ssyncadd.s32 @!p0 s1  }
0x71: {  	[bflag:$0x3] =	sbarrier.arrive $0xFFFF  }
0x72: {  	_ =	shalt  }

</sc_bundles>
